<compile_context>
chip_gen: v7x
topology: tpu7x:2x2x1
jax: 0.10.2.dev20260603
libtpu: 0.0.44.dev20260713+nightly
codegen_flags: <defaults>
</compile_context>

<pallas_src>
import jax
import jax.numpy as jnp
from jax import lax
from jax.experimental import pallas as pl
from jax.experimental.pallas import tpu as pltpu
from jax.experimental.pallas import tpu_sc as plsc

NC = 2
NS = 16
B = 256
C, H, W = 4, 64, 64
P = C * H
PBLK_A = 64
PBLK_B = 64
PA = 64
T_LEN = 1000


def _gather_body(t_hbm, ac_hbm, am_hbm, a_out, am_out, t_v, a_v, am_v, csem):
    wid = lax.axis_index("s")

    @pl.when(wid == 0)
    def _():
        pltpu.sync_copy(t_hbm, t_v)
        ccps = []
        for h in range(2):
            sl = pl.ds(h * 128, 128)
            ccps.append(pltpu.async_copy(
                ac_hbm.at[t_v.at[sl]], a_v.at[sl], csem))
            ccps.append(pltpu.async_copy(
                am_hbm.at[t_v.at[sl]], am_v.at[sl], csem))
        for cp in ccps:
            cp.wait()
        cpo = pltpu.async_copy(a_v, a_out, csem)
        cpm = pltpu.async_copy(am_v, am_out, csem)
        cpo.wait()
        cpm.wait()


def _sc_gather(t32, ac, am):
    mesh = plsc.VectorSubcoreMesh(
        core_axis_name="c", subcore_axis_name="s",
        num_cores=1, num_subcores=NS)
    f = pl.kernel(
        _gather_body,
        out_type=(jax.ShapeDtypeStruct((B,), jnp.float32),
                  jax.ShapeDtypeStruct((B,), jnp.float32)),
        mesh=mesh,
        scratch_types=[
            pltpu.VMEM((B,), jnp.int32),
            pltpu.VMEM((B,), jnp.float32),
            pltpu.VMEM((B,), jnp.float32),
            pltpu.SemaphoreType.DMA,
        ],
    )
    return f(t32, ac, am)


def _tcg_body(t_ref, ac_ref, am_ref, a_ref, am_out_ref):
    iot = lax.broadcasted_iota(jnp.int32, (T_LEN, B), 0)
    oh = jnp.where(iot == t_ref[...], 1.0, 0.0).astype(jnp.float32)
    a_ref[...] = jnp.dot(ac_ref[...], oh, preferred_element_type=jnp.float32,
                         precision=lax.Precision.HIGHEST).reshape(1, 1, B)
    am_out_ref[...] = jnp.dot(am_ref[...], oh,
                              preferred_element_type=jnp.float32,
                              precision=lax.Precision.HIGHEST).reshape(1, 1, B)


def _tc_gather(t2, ac2, am2):
    return pl.pallas_call(
        _tcg_body,
        out_shape=(jax.ShapeDtypeStruct((1, 1, B), jnp.float32),
                   jax.ShapeDtypeStruct((1, 1, B), jnp.float32)),
    )(t2, ac2, am2)


def _dense_a_body(a_ref, am_ref, x_ref, n_ref, o_ref, no_ref):
    n = n_ref[...]
    o_ref[...] = a_ref[...] * x_ref[...] + am_ref[...] * n
    no_ref[...] = n


def _dense_a(a2, am2, x0T, nT):
    blk = pl.BlockSpec((PBLK_A, W, B), lambda i: (i, 0, 0))
    cblk = pl.BlockSpec((1, 1, B), lambda i: (0, 0, 0))
    return pl.pallas_call(
        _dense_a_body,
        grid=(PA // PBLK_A,),
        in_specs=[cblk, cblk, blk, blk],
        out_specs=(blk, blk),
        out_shape=(jax.ShapeDtypeStruct((P, W, B), jnp.float32),
                   jax.ShapeDtypeStruct((P, W, B), jnp.float32)),
    )(a2, am2, x0T, nT)


def _dense_b_body(o_in, no_in, a_ref, am_ref, x_ref, n_ref, o_ref, no_ref):
    del o_in, no_in
    n = n_ref[...]
    o_ref[...] = a_ref[...] * x_ref[...] + am_ref[...] * n
    no_ref[...] = n


def _dense_b(outA, noutA, a2, am2, x0T, nT):
    off = PA // PBLK_B
    blk = pl.BlockSpec((PBLK_B, W, B), lambda i: (i + off, 0, 0))
    cblk = pl.BlockSpec((1, 1, B), lambda i: (0, 0, 0))
    anyspec = pl.BlockSpec(memory_space=pl.ANY)
    return pl.pallas_call(
        _dense_b_body,
        grid=((P - PA) // PBLK_B,),
        in_specs=[anyspec, anyspec, cblk, cblk, blk, blk],
        out_specs=(blk, blk),
        out_shape=(jax.ShapeDtypeStruct((P, W, B), jnp.float32),
                   jax.ShapeDtypeStruct((P, W, B), jnp.float32)),
        input_output_aliases={0: 0, 1: 1},
    )(outA, noutA, a2, am2, x0T, nT)


@jax.jit
def _run(x0, t32, noise, ac, am):
    x0T = x0.transpose(1, 2, 3, 0).reshape(P, W, B)
    nT = noise.transpose(1, 2, 3, 0).reshape(P, W, B)
    a_sc, am_sc = _sc_gather(t32, ac, am)
    a_tc, am_tc = _tc_gather(t32.reshape(1, B), ac.reshape(1, T_LEN),
                             am.reshape(1, T_LEN))
    outA, noutA = _dense_a(a_tc, am_tc, x0T, nT)
    outT, noutT = _dense_b(outA, noutA, a_sc.reshape(1, 1, B),
                           am_sc.reshape(1, 1, B), x0T, nT)
    out = outT.reshape(C, H, W, B).transpose(3, 0, 1, 2)
    nout = noutT.reshape(C, H, W, B).transpose(3, 0, 1, 2)
    return out, nout


def kernel(x0, t, noise, sqrt_ac, sqrt_1mac):
    return _run(x0, t.astype(jnp.int32), noise, sqrt_ac, sqrt_1mac)

# --- scband reference (transcript-rebuilt; emitter-appended) ---
"""Pipeline reference for scband-noise-scheduler-5025111736397 (READ-ONLY COPY).

The authoritative reference and input builder live on the scoring server;
editing this copy changes nothing except your own understanding.
"""

import jax, jax.numpy as jnp
import numpy as np

T = 1000
BETA_START = 0.0001
BETA_END = 0.02

def _make_schedule():
    betas = jnp.linspace(BETA_START, BETA_END, T, dtype=jnp.float32)
    alphas = 1.0 - betas
    alphas_cum = jnp.cumprod(alphas, axis=0)
    sqrt_ac = jnp.sqrt(alphas_cum)
    sqrt_1mac = jnp.sqrt(1.0 - alphas_cum)
    return sqrt_ac, sqrt_1mac

def setup_inputs(seed: int = 0) -> dict:
    key = jax.random.key(seed)
    k1, k2, k3 = jax.random.split(key, 3)
    x0 = jax.random.normal(k1, (256, 4, 64, 64), dtype=jnp.float32)
    t = jax.random.randint(k2, (256,), 0, T, dtype=jnp.int64 if jax.config.jax_enable_x64 else jnp.int32)
    noise = jax.random.normal(k3, (256, 4, 64, 64), dtype=jnp.float32)
    sqrt_ac, sqrt_1mac = _make_schedule()
    return {"x0": x0, "t": t, "noise": noise, "sqrt_ac": sqrt_ac, "sqrt_1mac": sqrt_1mac}

def reference(x0, t, noise, sqrt_ac, sqrt_1mac):
    # q_sample: gather per-timestep coefficients (embedding-style lookup) then fused elementwise
    a = jnp.take(sqrt_ac, t, axis=0).reshape(-1, 1, 1, 1)
    am = jnp.take(sqrt_1mac, t, axis=0).reshape(-1, 1, 1, 1)
    out = a * x0 + am * noise
    return (out, noise)

if __name__ == "__main__":
    import jax
    _d = setup_inputs()
    print(jax.jit(kernel)(*tuple(_d.values())))

</pallas_src>

<mosaic_0001>
#map = affine_map<(d0, d1) -> (0)>
module attributes {stable_mosaic.version = 14 : i64} {
  func.func @_gather_body(%arg0: i32, %arg1: i32, %arg2: memref<256xi32, #tpu.memory_space<hbm>>, %arg3: memref<1000xf32, #tpu.memory_space<hbm>>, %arg4: memref<1000xf32, #tpu.memory_space<hbm>>, %arg5: memref<256xf32, #tpu.memory_space<hbm>>, %arg6: memref<256xf32, #tpu.memory_space<hbm>>, %arg7: memref<256xi32, #tpu.memory_space<vmem>>, %arg8: memref<256xf32, #tpu.memory_space<vmem>>, %arg9: memref<256xf32, #tpu.memory_space<vmem>>, %arg10: memref<!tpu.dma_semaphore, #tpu.memory_space<semaphore_mem>>) attributes {dimension_semantics = [#tpu.dimension_semantics<core_parallel>, #tpu.dimension_semantics<subcore_parallel>], iteration_bounds = array<i64: 1, 16>, scalar_prefetch = 0 : i64, scratch_operands = 4 : i64, tpu.core_type = #tpu.core_type<sc_vector_subcore>, window_params = [{transform_indices = #map}, {transform_indices = #map}, {transform_indices = #map}, {transform_indices = #map}, {transform_indices = #map}]} {
    %eq3A = arith.constant 0 : i32
    %eq3A_0 = arith.cmpi eq, %arg1, %eq3A : i32
    %convert_element_type3A = arith.extui %eq3A_0 : i1 to i32
    %cond3A = arith.constant 0 : i32
    %cond3A_1 = arith.cmpi ne, %convert_element_type3A, %cond3A : i32
    scf.if %cond3A_1 {
      "tpu.region"() ({
        %run_scoped3A = tpu.sem_alloc : memref<!tpu.dma_semaphore, #tpu.memory_space<semaphore_mem>>
        tpu.enqueue_dma source(%arg2 : memref<256xi32, #tpu.memory_space<hbm>>) target(%arg7 : memref<256xi32, #tpu.memory_space<vmem>>) target_semaphore(%run_scoped3A : memref<!tpu.dma_semaphore, #tpu.memory_space<semaphore_mem>>)
        tpu.wait_dma2 semaphore(%run_scoped3A : memref<!tpu.dma_semaphore, #tpu.memory_space<semaphore_mem>>) src(%arg2 : memref<256xi32, #tpu.memory_space<hbm>>) dst(%arg7 : memref<256xi32, #tpu.memory_space<vmem>>)
        tpu.yield
      }) : () -> ()
      %dma_start3A = arith.constant 0 : i32
      %dma_start3A_2 = tpu.memref_slice %arg8[%dma_start3A] : memref<256xf32, #tpu.memory_space<vmem>> -> memref<128xf32, #tpu.memory_space<vmem>>
      %dma_start3A_3 = arith.constant 0 : i32
      %dma_start3A_4 = tpu.memref_slice %arg7[%dma_start3A_3] : memref<256xi32, #tpu.memory_space<vmem>> -> memref<128xi32, #tpu.memory_space<vmem>>
      %dma_start3A_5 = arith.constant 0 : i32
      %dma_start3A_6 = tpu.memref_slice %arg3[%dma_start3A_5] : memref<1000xf32, #tpu.memory_space<hbm>> -> memref<1000xf32, #tpu.memory_space<hbm>>
      tpu.enqueue_indirect_dma source(%dma_start3A_6 : memref<1000xf32, #tpu.memory_space<hbm>>) target(%dma_start3A_2 : memref<128xf32, #tpu.memory_space<vmem>>) offsets(%dma_start3A_4 : memref<128xi32, #tpu.memory_space<vmem>>) semaphore(%arg10 : memref<!tpu.dma_semaphore, #tpu.memory_space<semaphore_mem>>)
      %dma_start3A_7 = arith.constant 0 : i32
      %dma_start3A_8 = tpu.memref_slice %arg9[%dma_start3A_7] : memref<256xf32, #tpu.memory_space<vmem>> -> memref<128xf32, #tpu.memory_space<vmem>>
      %dma_start3A_9 = arith.constant 0 : i32
      %dma_start3A_10 = tpu.memref_slice %arg7[%dma_start3A_9] : memref<256xi32, #tpu.memory_space<vmem>> -> memref<128xi32, #tpu.memory_space<vmem>>
      %dma_start3A_11 = arith.constant 0 : i32
      %dma_start3A_12 = tpu.memref_slice %arg4[%dma_start3A_11] : memref<1000xf32, #tpu.memory_space<hbm>> -> memref<1000xf32, #tpu.memory_space<hbm>>
      tpu.enqueue_indirect_dma source(%dma_start3A_12 : memref<1000xf32, #tpu.memory_space<hbm>>) target(%dma_start3A_8 : memref<128xf32, #tpu.memory_space<vmem>>) offsets(%dma_start3A_10 : memref<128xi32, #tpu.memory_space<vmem>>) semaphore(%arg10 : memref<!tpu.dma_semaphore, #tpu.memory_space<semaphore_mem>>)
      %dma_start3A_13 = arith.constant 128 : i32
      %dma_start3A_14 = tpu.memref_slice %arg8[%dma_start3A_13] : memref<256xf32, #tpu.memory_space<vmem>> -> memref<128xf32, #tpu.memory_space<vmem>>
      %dma_start3A_15 = arith.constant 128 : i32
      %dma_start3A_16 = tpu.memref_slice %arg7[%dma_start3A_15] : memref<256xi32, #tpu.memory_space<vmem>> -> memref<128xi32, #tpu.memory_space<vmem>>
      %dma_start3A_17 = arith.constant 0 : i32
      %dma_start3A_18 = tpu.memref_slice %arg3[%dma_start3A_17] : memref<1000xf32, #tpu.memory_space<hbm>> -> memref<1000xf32, #tpu.memory_space<hbm>>
      tpu.enqueue_indirect_dma source(%dma_start3A_18 : memref<1000xf32, #tpu.memory_space<hbm>>) target(%dma_start3A_14 : memref<128xf32, #tpu.memory_space<vmem>>) offsets(%dma_start3A_16 : memref<128xi32, #tpu.memory_space<vmem>>) semaphore(%arg10 : memref<!tpu.dma_semaphore, #tpu.memory_space<semaphore_mem>>)
      %dma_start3A_19 = arith.constant 128 : i32
      %dma_start3A_20 = tpu.memref_slice %arg9[%dma_start3A_19] : memref<256xf32, #tpu.memory_space<vmem>> -> memref<128xf32, #tpu.memory_space<vmem>>
      %dma_start3A_21 = arith.constant 128 : i32
      %dma_start3A_22 = tpu.memref_slice %arg7[%dma_start3A_21] : memref<256xi32, #tpu.memory_space<vmem>> -> memref<128xi32, #tpu.memory_space<vmem>>
      %dma_start3A_23 = arith.constant 0 : i32
      %dma_start3A_24 = tpu.memref_slice %arg4[%dma_start3A_23] : memref<1000xf32, #tpu.memory_space<hbm>> -> memref<1000xf32, #tpu.memory_space<hbm>>
      tpu.enqueue_indirect_dma source(%dma_start3A_24 : memref<1000xf32, #tpu.memory_space<hbm>>) target(%dma_start3A_20 : memref<128xf32, #tpu.memory_space<vmem>>) offsets(%dma_start3A_22 : memref<128xi32, #tpu.memory_space<vmem>>) semaphore(%arg10 : memref<!tpu.dma_semaphore, #tpu.memory_space<semaphore_mem>>)
      %dma_wait3A = arith.constant 0 : i32
      %dma_wait3A_25 = tpu.memref_slice %arg8[%dma_wait3A] : memref<256xf32, #tpu.memory_space<vmem>> -> memref<128xf32, #tpu.memory_space<vmem>>
      %dma_wait3A_26 = arith.constant 0 : i32
      %dma_wait3A_27 = tpu.memref_slice %arg7[%dma_wait3A_26] : memref<256xi32, #tpu.memory_space<vmem>> -> memref<128xi32, #tpu.memory_space<vmem>>
      %dma_wait3A_28 = arith.constant 0 : i32
      %dma_wait3A_29 = tpu.memref_slice %arg3[%dma_wait3A_28] : memref<1000xf32, #tpu.memory_space<hbm>> -> memref<1000xf32, #tpu.memory_space<hbm>>
      tpu.wait_indirect_dma semaphore(%arg10 : memref<!tpu.dma_semaphore, #tpu.memory_space<semaphore_mem>>) src(%dma_wait3A_29 : memref<1000xf32, #tpu.memory_space<hbm>>) dst(%dma_wait3A_25 : memref<128xf32, #tpu.memory_space<vmem>>)
      %dma_wait3A_30 = arith.constant 0 : i32
      %dma_wait3A_31 = tpu.memref_slice %arg9[%dma_wait3A_30] : memref<256xf32, #tpu.memory_space<vmem>> -> memref<128xf32, #tpu.memory_space<vmem>>
      %dma_wait3A_32 = arith.constant 0 : i32
      %dma_wait3A_33 = tpu.memref_slice %arg7[%dma_wait3A_32] : memref<256xi32, #tpu.memory_space<vmem>> -> memref<128xi32, #tpu.memory_space<vmem>>
      %dma_wait3A_34 = arith.constant 0 : i32
      %dma_wait3A_35 = tpu.memref_slice %arg4[%dma_wait3A_34] : memref<1000xf32, #tpu.memory_space<hbm>> -> memref<1000xf32, #tpu.memory_space<hbm>>
      tpu.wait_indirect_dma semaphore(%arg10 : memref<!tpu.dma_semaphore, #tpu.memory_space<semaphore_mem>>) src(%dma_wait3A_35 : memref<1000xf32, #tpu.memory_space<hbm>>) dst(%dma_wait3A_31 : memref<128xf32, #tpu.memory_space<vmem>>)
      %dma_wait3A_36 = arith.constant 128 : i32
      %dma_wait3A_37 = tpu.memref_slice %arg8[%dma_wait3A_36] : memref<256xf32, #tpu.memory_space<vmem>> -> memref<128xf32, #tpu.memory_space<vmem>>
      %dma_wait3A_38 = arith.constant 128 : i32
      %dma_wait3A_39 = tpu.memref_slice %arg7[%dma_wait3A_38] : memref<256xi32, #tpu.memory_space<vmem>> -> memref<128xi32, #tpu.memory_space<vmem>>
      %dma_wait3A_40 = arith.constant 0 : i32
      %dma_wait3A_41 = tpu.memref_slice %arg3[%dma_wait3A_40] : memref<1000xf32, #tpu.memory_space<hbm>> -> memref<1000xf32, #tpu.memory_space<hbm>>
      tpu.wait_indirect_dma semaphore(%arg10 : memref<!tpu.dma_semaphore, #tpu.memory_space<semaphore_mem>>) src(%dma_wait3A_41 : memref<1000xf32, #tpu.memory_space<hbm>>) dst(%dma_wait3A_37 : memref<128xf32, #tpu.memory_space<vmem>>)
      %dma_wait3A_42 = arith.constant 128 : i32
      %dma_wait3A_43 = tpu.memref_slice %arg9[%dma_wait3A_42] : memref<256xf32, #tpu.memory_space<vmem>> -> memref<128xf32, #tpu.memory_space<vmem>>
      %dma_wait3A_44 = arith.constant 128 : i32
      %dma_wait3A_45 = tpu.memref_slice %arg7[%dma_wait3A_44] : memref<256xi32, #tpu.memory_space<vmem>> -> memref<128xi32, #tpu.memory_space<vmem>>
      %dma_wait3A_46 = arith.constant 0 : i32
      %dma_wait3A_47 = tpu.memref_slice %arg4[%dma_wait3A_46] : memref<1000xf32, #tpu.memory_space<hbm>> -> memref<1000xf32, #tpu.memory_space<hbm>>
      tpu.wait_indirect_dma semaphore(%arg10 : memref<!tpu.dma_semaphore, #tpu.memory_space<semaphore_mem>>) src(%dma_wait3A_47 : memref<1000xf32, #tpu.memory_space<hbm>>) dst(%dma_wait3A_43 : memref<128xf32, #tpu.memory_space<vmem>>)
      tpu.enqueue_dma source(%arg8 : memref<256xf32, #tpu.memory_space<vmem>>) target(%arg5 : memref<256xf32, #tpu.memory_space<hbm>>) target_semaphore(%arg10 : memref<!tpu.dma_semaphore, #tpu.memory_space<semaphore_mem>>)
      tpu.enqueue_dma source(%arg9 : memref<256xf32, #tpu.memory_space<vmem>>) target(%arg6 : memref<256xf32, #tpu.memory_space<hbm>>) target_semaphore(%arg10 : memref<!tpu.dma_semaphore, #tpu.memory_space<semaphore_mem>>)
      tpu.wait_dma2 semaphore(%arg10 : memref<!tpu.dma_semaphore, #tpu.memory_space<semaphore_mem>>) src(%arg8 : memref<256xf32, #tpu.memory_space<vmem>>) dst(%arg5 : memref<256xf32, #tpu.memory_space<hbm>>)
      tpu.wait_dma2 semaphore(%arg10 : memref<!tpu.dma_semaphore, #tpu.memory_space<semaphore_mem>>) src(%arg9 : memref<256xf32, #tpu.memory_space<vmem>>) dst(%arg6 : memref<256xf32, #tpu.memory_space<hbm>>)
    } else {
    }
    return
  }
}

module attributes {stable_mosaic.version = 14 : i64} {
  func.func @_dense_b_body(%arg0: i32, %arg1: memref<256x64x256xf32, #tpu.memory_space<any>>, %arg2: memref<256x64x256xf32, #tpu.memory_space<any>>, %arg3: memref<1x1x256xf32, #tpu.memory_space<vmem>>, %arg4: memref<1x1x256xf32, #tpu.memory_space<vmem>>, %arg5: memref<64x64x256xf32, #tpu.memory_space<vmem>>, %arg6: memref<64x64x256xf32, #tpu.memory_space<vmem>>, %arg7: memref<64x64x256xf32, #tpu.memory_space<vmem>>, %arg8: memref<64x64x256xf32, #tpu.memory_space<vmem>>) attributes {dimension_semantics = [#tpu.dimension_semantics<arbitrary>], iteration_bounds = array<i64: 3>, scalar_prefetch = 0 : i64, scratch_operands = 0 : i64, tpu.core_type = #tpu.core_type<tc>, window_params = [{}, {}, {pipeline_mode = #tpu.pipeline_mode<synchronous>, transform_indices = @transform_2, window_bounds = array<i64: 1, 1, 256>}, {pipeline_mode = #tpu.pipeline_mode<synchronous>, transform_indices = @transform_3, window_bounds = array<i64: 1, 1, 256>}, {transform_indices = @transform_4, window_bounds = array<i64: 64, 64, 256>}, {transform_indices = @transform_5, window_bounds = array<i64: 64, 64, 256>}, {transform_indices = @transform_6, window_bounds = array<i64: 64, 64, 256>}, {transform_indices = @transform_7, window_bounds = array<i64: 64, 64, 256>}]} {
    %get3A = arith.constant 0 : index
    %get3A_0 = arith.constant 0 : index
    %get3A_1 = arith.constant 0 : index
    %get3A_2 = vector.load %arg6[%get3A, %get3A_0, %get3A_1] : memref<64x64x256xf32, #tpu.memory_space<vmem>>, vector<64x64x256xf32>
    %get3A_3 = arith.constant 0 : index
    %get3A_4 = arith.constant 0 : index
    %get3A_5 = arith.constant 0 : index
    %get3A_6 = vector.load %arg3[%get3A_3, %get3A_4, %get3A_5] : memref<1x1x256xf32, #tpu.memory_space<vmem>>, vector<1x1x256xf32>
    %get3A_7 = arith.constant 0 : index
    %get3A_8 = arith.constant 0 : index
    %get3A_9 = arith.constant 0 : index
    %get3A_10 = vector.load %arg5[%get3A_7, %get3A_8, %get3A_9] : memref<64x64x256xf32, #tpu.memory_space<vmem>>, vector<64x64x256xf32>
    %mul3A = vector.broadcast %get3A_6 : vector<1x1x256xf32> to vector<64x64x256xf32>
    %mul3A_11 = arith.mulf %mul3A, %get3A_10 : vector<64x64x256xf32>
    %get3A_12 = arith.constant 0 : index
    %get3A_13 = arith.constant 0 : index
    %get3A_14 = arith.constant 0 : index
    %get3A_15 = vector.load %arg4[%get3A_12, %get3A_13, %get3A_14] : memref<1x1x256xf32, #tpu.memory_space<vmem>>, vector<1x1x256xf32>
    %mul3A_16 = vector.broadcast %get3A_15 : vector<1x1x256xf32> to vector<64x64x256xf32>
    %mul3A_17 = arith.mulf %mul3A_16, %get3A_2 : vector<64x64x256xf32>
    %add3A = arith.addf %mul3A_11, %mul3A_17 : vector<64x64x256xf32>
    %swap3A = arith.constant 0 : index
    %swap3A_18 = arith.constant 0 : index
    %swap3A_19 = arith.constant 0 : index
    %swap3A_20 = vector.load %arg7[%swap3A, %swap3A_18, %swap3A_19] : memref<64x64x256xf32, #tpu.memory_space<vmem>>, vector<64x64x256xf32>
    tpu.vector_store %arg7[%swap3A, %swap3A_18, %swap3A_19], %add3A {strides = array<i32>} : memref<64x64x256xf32, #tpu.memory_space<vmem>>, vector<64x64x256xf32>,
    %swap3A_21 = arith.constant 0 : index
    %swap3A_22 = arith.constant 0 : index
    %swap3A_23 = arith.constant 0 : index
    %swap3A_24 = vector.load %arg8[%swap3A_21, %swap3A_22, %swap3A_23] : memref<64x64x256xf32, #tpu.memory_space<vmem>>, vector<64x64x256xf32>
    tpu.vector_store %arg8[%swap3A_21, %swap3A_22, %swap3A_23], %get3A_2 {strides = array<i32>} : memref<64x64x256xf32, #tpu.memory_space<vmem>>, vector<64x64x256xf32>,
    return
  }
  func.func @transform_2(%arg0: i32) -> (i32, i32, i32) {
    %c0_i32 = arith.constant 0 : i32
    %c0_i32_0 = arith.constant 0 : i32
    %c0_i32_1 = arith.constant 0 : i32
    %c0_i32_2 = arith.constant 0 : i32
    return %c0_i32, %c0_i32_0, %c0_i32_1 : i32, i32, i32
  }
  func.func @transform_3(%arg0: i32) -> (i32, i32, i32) {
    %c0_i32 = arith.constant 0 : i32
    %c0_i32_0 = arith.constant 0 : i32
    %c0_i32_1 = arith.constant 0 : i32
    %c0_i32_2 = arith.constant 0 : i32
    return %c0_i32, %c0_i32_0, %c0_i32_1 : i32, i32, i32
  }
  func.func @transform_4(%arg0: i32) -> (i32, i32, i32) {
    %add3A = arith.constant 1 : i32
    %add3A_0 = arith.addi %arg0, %add3A : i32
    %c0_i32 = arith.constant 0 : i32
    %c0_i32_1 = arith.constant 0 : i32
    %c0_i32_2 = arith.constant 0 : i32
    return %add3A_0, %c0_i32, %c0_i32_1 : i32, i32, i32
  }
  func.func @transform_5(%arg0: i32) -> (i32, i32, i32) {
    %add3A = arith.constant 1 : i32
    %add3A_0 = arith.addi %arg0, %add3A : i32
    %c0_i32 = arith.constant 0 : i32
    %c0_i32_1 = arith.constant 0 : i32
    %c0_i32_2 = arith.constant 0 : i32
    return %add3A_0, %c0_i32, %c0_i32_1 : i32, i32, i32
  }
  func.func @transform_6(%arg0: i32) -> (i32, i32, i32) {
    %add3A = arith.constant 1 : i32
    %add3A_0 = arith.addi %arg0, %add3A : i32
    %c0_i32 = arith.constant 0 : i32
    %c0_i32_1 = arith.constant 0 : i32
    %c0_i32_2 = arith.constant 0 : i32
    return %add3A_0, %c0_i32, %c0_i32_1 : i32, i32, i32
  }
  func.func @transform_7(%arg0: i32) -> (i32, i32, i32) {
    %add3A = arith.constant 1 : i32
    %add3A_0 = arith.addi %arg0, %add3A : i32
    %c0_i32 = arith.constant 0 : i32
    %c0_i32_1 = arith.constant 0 : i32
    %c0_i32_2 = arith.constant 0 : i32
    return %add3A_0, %c0_i32, %c0_i32_1 : i32, i32, i32
  }
}

module attributes {stable_mosaic.version = 14 : i64} {
  func.func @_tcg_body(%arg0: memref<1x256xi32, #tpu.memory_space<vmem>>, %arg1: memref<1x1000xf32, #tpu.memory_space<vmem>>, %arg2: memref<1x1000xf32, #tpu.memory_space<vmem>>, %arg3: memref<1x1x256xf32, #tpu.memory_space<vmem>>, %arg4: memref<1x1x256xf32, #tpu.memory_space<vmem>>) attributes {dimension_semantics = [], scalar_prefetch = 0 : i64, scratch_operands = 0 : i64, tpu.core_type = #tpu.core_type<tc>} {
    %iota3A = tpu.iota {dimensions = array<i32: 0>} : vector<1000x256xi32>
    %get3A = arith.constant 0 : index
    %get3A_0 = arith.constant 0 : index
    %get3A_1 = vector.load %arg0[%get3A, %get3A_0] : memref<1x256xi32, #tpu.memory_space<vmem>>, vector<1x256xi32>
    %eq3A = vector.broadcast %get3A_1 : vector<1x256xi32> to vector<1000x256xi32>
    %eq3A_2 = arith.cmpi eq, %iota3A, %eq3A : vector<1000x256xi32>
    %jit3A = arith.constant 1.000000e+00 : f32
    %jit3A_3 = arith.constant 0.000000e+00 : f32
    %broadcast_in_dim3A = vector.broadcast %jit3A : f32 to vector<1000x256xf32>
    %broadcast_in_dim3A_4 = vector.broadcast %jit3A_3 : f32 to vector<1000x256xf32>
    %select_n3A = arith.select %eq3A_2, %broadcast_in_dim3A, %broadcast_in_dim3A_4 : vector<1000x256xi1>, vector<1000x256xf32>
    %get3A_5 = arith.constant 0 : index
    %get3A_6 = arith.constant 0 : index
    %get3A_7 = vector.load %arg1[%get3A_5, %get3A_6] : memref<1x1000xf32, #tpu.memory_space<vmem>>, vector<1x1000xf32>
    %dot_general3A = arith.constant dense<0.000000e+00> : vector<1x256xf32>
    %dot_general3A_8 = tpu.matmul %get3A_7, %select_n3A, %dot_general3A {dimension_numbers = #tpu.dot_dimension_numbers<[1], [0], [0], [1], [0, 0, 1, 1], [], []>, precision = #tpu.contract_precision<fp32>, transpose_lhs_hint = false} : vector<1x1000xf32>, vector<1000x256xf32>, vector<1x256xf32> -> vector<1x256xf32>
    %reshape3A = vector.shape_cast %dot_general3A_8 : vector<1x256xf32> to vector<1x1x256xf32>
    %swap3A = arith.constant 0 : index
    %swap3A_9 = arith.constant 0 : index
    %swap3A_10 = arith.constant 0 : index
    %swap3A_11 = vector.load %arg3[%swap3A, %swap3A_9, %swap3A_10] : memref<1x1x256xf32, #tpu.memory_space<vmem>>, vector<1x1x256xf32>
    tpu.vector_store %arg3[%swap3A, %swap3A_9, %swap3A_10], %reshape3A {strides = array<i32>} : memref<1x1x256xf32, #tpu.memory_space<vmem>>, vector<1x1x256xf32>,
    %get3A_12 = arith.constant 0 : index
    %get3A_13 = arith.constant 0 : index
    %get3A_14 = vector.load %arg2[%get3A_12, %get3A_13] : memref<1x1000xf32, #tpu.memory_space<vmem>>, vector<1x1000xf32>
    %dot_general3A_15 = arith.constant dense<0.000000e+00> : vector<1x256xf32>
    %dot_general3A_16 = tpu.matmul %get3A_14, %select_n3A, %dot_general3A_15 {dimension_numbers = #tpu.dot_dimension_numbers<[1], [0], [0], [1], [0, 0, 1, 1], [], []>, precision = #tpu.contract_precision<fp32>, transpose_lhs_hint = false} : vector<1x1000xf32>, vector<1000x256xf32>, vector<1x256xf32> -> vector<1x256xf32>
    %reshape3A_17 = vector.shape_cast %dot_general3A_16 : vector<1x256xf32> to vector<1x1x256xf32>
    %swap3A_18 = arith.constant 0 : index
    %swap3A_19 = arith.constant 0 : index
    %swap3A_20 = arith.constant 0 : index
    %swap3A_21 = vector.load %arg4[%swap3A_18, %swap3A_19, %swap3A_20] : memref<1x1x256xf32, #tpu.memory_space<vmem>>, vector<1x1x256xf32>
    tpu.vector_store %arg4[%swap3A_18, %swap3A_19, %swap3A_20], %reshape3A_17 {strides = array<i32>} : memref<1x1x256xf32, #tpu.memory_space<vmem>>, vector<1x1x256xf32>,
    return
  }
}

module attributes {stable_mosaic.version = 14 : i64} {
  func.func @_dense_a_body(%arg0: i32, %arg1: memref<1x1x256xf32, #tpu.memory_space<vmem>>, %arg2: memref<1x1x256xf32, #tpu.memory_space<vmem>>, %arg3: memref<64x64x256xf32, #tpu.memory_space<vmem>>, %arg4: memref<64x64x256xf32, #tpu.memory_space<vmem>>, %arg5: memref<64x64x256xf32, #tpu.memory_space<vmem>>, %arg6: memref<64x64x256xf32, #tpu.memory_space<vmem>>) attributes {dimension_semantics = [#tpu.dimension_semantics<arbitrary>], iteration_bounds = array<i64: 1>, scalar_prefetch = 0 : i64, scratch_operands = 0 : i64, tpu.core_type = #tpu.core_type<tc>, window_params = [{pipeline_mode = #tpu.pipeline_mode<synchronous>, transform_indices = @transform_0, window_bounds = array<i64: 1, 1, 256>}, {pipeline_mode = #tpu.pipeline_mode<synchronous>, transform_indices = @transform_1, window_bounds = array<i64: 1, 1, 256>}, {transform_indices = @transform_2, window_bounds = array<i64: 64, 64, 256>}, {transform_indices = @transform_3, window_bounds = array<i64: 64, 64, 256>}, {transform_indices = @transform_4, window_bounds = array<i64: 64, 64, 256>}, {transform_indices = @transform_5, window_bounds = array<i64: 64, 64, 256>}]} {
    %get3A = arith.constant 0 : index
    %get3A_0 = arith.constant 0 : index
    %get3A_1 = arith.constant 0 : index
    %get3A_2 = vector.load %arg4[%get3A, %get3A_0, %get3A_1] : memref<64x64x256xf32, #tpu.memory_space<vmem>>, vector<64x64x256xf32>
    %get3A_3 = arith.constant 0 : index
    %get3A_4 = arith.constant 0 : index
    %get3A_5 = arith.constant 0 : index
    %get3A_6 = vector.load %arg1[%get3A_3, %get3A_4, %get3A_5] : memref<1x1x256xf32, #tpu.memory_space<vmem>>, vector<1x1x256xf32>
    %get3A_7 = arith.constant 0 : index
    %get3A_8 = arith.constant 0 : index
    %get3A_9 = arith.constant 0 : index
    %get3A_10 = vector.load %arg3[%get3A_7, %get3A_8, %get3A_9] : memref<64x64x256xf32, #tpu.memory_space<vmem>>, vector<64x64x256xf32>
    %mul3A = vector.broadcast %get3A_6 : vector<1x1x256xf32> to vector<64x64x256xf32>
    %mul3A_11 = arith.mulf %mul3A, %get3A_10 : vector<64x64x256xf32>
    %get3A_12 = arith.constant 0 : index
    %get3A_13 = arith.constant 0 : index
    %get3A_14 = arith.constant 0 : index
    %get3A_15 = vector.load %arg2[%get3A_12, %get3A_13, %get3A_14] : memref<1x1x256xf32, #tpu.memory_space<vmem>>, vector<1x1x256xf32>
    %mul3A_16 = vector.broadcast %get3A_15 : vector<1x1x256xf32> to vector<64x64x256xf32>
    %mul3A_17 = arith.mulf %mul3A_16, %get3A_2 : vector<64x64x256xf32>
    %add3A = arith.addf %mul3A_11, %mul3A_17 : vector<64x64x256xf32>
    %swap3A = arith.constant 0 : index
    %swap3A_18 = arith.constant 0 : index
    %swap3A_19 = arith.constant 0 : index
    %swap3A_20 = vector.load %arg5[%swap3A, %swap3A_18, %swap3A_19] : memref<64x64x256xf32, #tpu.memory_space<vmem>>, vector<64x64x256xf32>
    tpu.vector_store %arg5[%swap3A, %swap3A_18, %swap3A_19], %add3A {strides = array<i32>} : memref<64x64x256xf32, #tpu.memory_space<vmem>>, vector<64x64x256xf32>,
    %swap3A_21 = arith.constant 0 : index
    %swap3A_22 = arith.constant 0 : index
    %swap3A_23 = arith.constant 0 : index
    %swap3A_24 = vector.load %arg6[%swap3A_21, %swap3A_22, %swap3A_23] : memref<64x64x256xf32, #tpu.memory_space<vmem>>, vector<64x64x256xf32>
    tpu.vector_store %arg6[%swap3A_21, %swap3A_22, %swap3A_23], %get3A_2 {strides = array<i32>} : memref<64x64x256xf32, #tpu.memory_space<vmem>>, vector<64x64x256xf32>,
    return
  }
  func.func @transform_0(%arg0: i32) -> (i32, i32, i32) {
    %c0_i32 = arith.constant 0 : i32
    %c0_i32_0 = arith.constant 0 : i32
    %c0_i32_1 = arith.constant 0 : i32
    %c0_i32_2 = arith.constant 0 : i32
    return %c0_i32, %c0_i32_0, %c0_i32_1 : i32, i32, i32
  }
  func.func @transform_1(%arg0: i32) -> (i32, i32, i32) {
    %c0_i32 = arith.constant 0 : i32
    %c0_i32_0 = arith.constant 0 : i32
    %c0_i32_1 = arith.constant 0 : i32
    %c0_i32_2 = arith.constant 0 : i32
    return %c0_i32, %c0_i32_0, %c0_i32_1 : i32, i32, i32
  }
  func.func @transform_2(%arg0: i32) -> (i32, i32, i32) {
    %c0_i32 = arith.constant 0 : i32
    %c0_i32_0 = arith.constant 0 : i32
    %c0_i32_1 = arith.constant 0 : i32
    return %arg0, %c0_i32, %c0_i32_0 : i32, i32, i32
  }
  func.func @transform_3(%arg0: i32) -> (i32, i32, i32) {
    %c0_i32 = arith.constant 0 : i32
    %c0_i32_0 = arith.constant 0 : i32
    %c0_i32_1 = arith.constant 0 : i32
    return %arg0, %c0_i32, %c0_i32_0 : i32, i32, i32
  }
  func.func @transform_4(%arg0: i32) -> (i32, i32, i32) {
    %c0_i32 = arith.constant 0 : i32
    %c0_i32_0 = arith.constant 0 : i32
    %c0_i32_1 = arith.constant 0 : i32
    return %arg0, %c0_i32, %c0_i32_0 : i32, i32, i32
  }
  func.func @transform_5(%arg0: i32) -> (i32, i32, i32) {
    %c0_i32 = arith.constant 0 : i32
    %c0_i32_0 = arith.constant 0 : i32
    %c0_i32_1 = arith.constant 0 : i32
    return %arg0, %c0_i32, %c0_i32_0 : i32, i32, i32
  }
}

</mosaic_0001>

<sc_bundles>
// kernel: _run.6.cloned.1.call-start
scs
__scs_entry_jumppad:
0x0: {  	(pc) =	sbr.rel $0x88, $3  }
0x1: {  	(tag) =	ssettag $0x0;
	lr =	simm.s32 $0x1  }
0x2: {  	[smem:$0x3F9C] =	sst lr;
	_ =	strace $0xD0000000  }
0x3: {  	_ = 	snop  }
0x4: {  	_ = 	snop  }
0x5: {  	_ = 	snop  }
0x6: {  	_ = 	snop  }
0x7: {  	_ = 	snop  }
__scs_overlays_trampoline_lowered:
0x8: {  	[smem:$0x3FAB] =	sst s0  }
0x9: {  	[smem:$0x3FAC] =	sst s1  }
0xa: {  	[smem:$0x3FAD] =	sst s2  }
0xb: {  	[smem:$0x3FAE] =	sst s3  }
0xc: {  	[smem:$0x3FAF] =	sst s4  }
0xd: {  	[smem:$0x3FB0] =	sst s5  }
0xe: {  	[smem:$0x3FB1] =	sst s6  }
0xf: {  	[smem:$0x3FB2] =	sst s7  }
0x10: {  	[smem:$0x3FB3] =	sst s8  }
0x11: {  	[smem:$0x3FB4] =	sst s9;
	s0 =	simm.s32 @!p0 $0x0  }
0x12: {  	s1 =	sld [smem:$0x3F9A];
	s0 =	simm.s32 @p0 $0x1  }
0x13: {  	[smem:$0x3FB5] =	sst s0;
	s0 =	simm.s32 @!p1 $0x0  }
0x14: {  	s2 =	sld [smem:$0x3F99];
	s0 =	simm.s32 @p1 $0x1  }
0x15: {  	[smem:$0x3FB6] =	sst s0;
	s0 =	simm.s32 @!p2 $0x0  }
0x16: {  	s3 =	sld [smem:$0x3FDB];
	s0 =	simm.s32 @p2 $0x1  }
0x17: {  	s4 =	simm.s32 $0x1BF5;
	[smem:$0x3FB8] =	sst s0  }
0x18: {  	s0 =	sld [smem:$0x3F9B];
	_ =	swait.ge [sflag:s4], $0x0  }
0x19: {  	s7 =	sld [smem:$0x3F9C]  }
0x1a: {  	s8 =	sadd.s32 $0xFFFFE003, lr  }
0x1b: {  	s9 =	sadd.s32 $0xFFFFFEF7, lr;
	s5 =	simm.s32 $0xFFFFFFFF;
	p2 =	slt.u32 s8, $0xFFFFF086  }
0x1c: {  	p1 =	slt.u32 s9, $0xF7A;
	s5 =	simm.s32 @!p2 $0x0  }
0x1d: {  	s5 =	simm.s32 @p1 $0x1;
	p0 =	seq.s32 s7, s2  }
0x1e: {  	s7 =	smul.u32 @!p0 $0xF7A, s2;
	p2 =	seq.s32 @!p0 s5, $0x0  }
0x1f: {  	s9 =	smul.u32 $0xF7A, s1;
	s8 =	simm.s32 @!p0 $0x1BF5;
	p2 =	por !p2, p0  }
0x20: {  	[sflag:s8] =	ssyncset.s32 @!p0 $0xFFFFF086;
	s6 =	sadd.s32 @!p0 s3, s7;
	s7 =	simm.s32 @!p0 $0x108  }
0x21: {  	s3 =	sadd.s32 s3, s9;
	s6 =	sadd.s32 @!p0 $0x88, s6;
	s7 =	simm.s32 @p2 $0x1082  }
0x22: {  	[simem:s7], [sflag:s8] =	dma.local @!p0 [hbm:s6], $0xF7A  }
0x23: {  	s9 =	sor.u32 $0xD0000000, s2;
	s6 =	simm.s32 $0x108;
	_ =	swait.ge @!p0 [sflag:s8], $0x0  }
0x24: {  	s3 =	sadd.s32 $0x88, s3;
	s6 =	simm.s32 @!p1 $0x1082;
	[sflag:s4] =	ssyncset.s32 $0xFFFFF086  }
0x25: {  	[simem:s6], [sflag:s4] =	dma.local [hbm:s3], $0xF7A  }
0x26: {  	[smem:$0x3F9C] =	sst s1;
	(tag) =	ssettag s2;
	_ =	strace s9  }
0x27: {  	s1 =	sld [smem:$0x3FAC]  }
0x28: {  	s2 =	sld [smem:$0x3FAD]  }
0x29: {  	s4 =	sld [smem:$0x3FAF]  }
0x2a: {  	p0 =	seq.s32 s5, $0x0;
	s5 =	sld [smem:$0x3FB0]  }
0x2b: {  	s6 =	sld [smem:$0x3FB1]  }
0x2c: {  	s7 =	sld [smem:$0x3FB2]  }
0x2d: {  	s3 =	simm.s32 $0x108;
	s8 =	sld [smem:$0x3FB3]  }
0x2e: {  	s3 =	simm.s32 @!p0 $0x1082;
	s9 =	sld [smem:$0x3FB4]  }
0x2f: {  	lr =	sadd.s32 s0, s3;
	s0 =	sld [smem:$0x3FAB]  }
0x30: {  	s3 =	sld [smem:$0x3FAE]  }
0x31: {  	[smem:$0x3FB7] =	sst s10  }
0x32: {  	s10 =	sld [smem:$0x3FB5];
	_ =	sdelay $0x3  }
0x33: {  	p0 =	seq.s32 s10, $0x1;
	s10 =	sld [smem:$0x3FB7];
	_ =	sdelay $0x3  }
0x34: {  	[smem:$0x3FB7] =	sst s10  }
0x35: {  	s10 =	sld [smem:$0x3FB6];
	_ =	sdelay $0x3  }
0x36: {  	p1 =	seq.s32 s10, $0x1;
	s10 =	sld [smem:$0x3FB7];
	_ =	sdelay $0x3  }
0x37: {  	[smem:$0x3FB7] =	sst s10  }
0x38: {  	s10 =	sld [smem:$0x3FB8]  }
0x39: {  	_ = 	snop;
	(pc) =	sbr.ind lr, $3  }
0x3a: {  	_ = 	snop  }
0x3b: {  	_ = 	snop  }
0x3c: {  	p2 =	seq.s32 s10, $0x1;
	s10 =	sld [smem:$0x3FB7]  }
0x3d: {  	_ =	shalt  }
0x3e: {  	_ =	shalt  }
0x3f: {  	_ =	shalt  }
0x40: {  	_ =	shalt  }
0x41: {  	_ =	shalt  }
0x42: {  	_ =	shalt  }
0x43: {  	_ =	shalt  }
0x44: {  	_ =	shalt  }
0x45: {  	_ =	shalt  }
0x46: {  	_ =	shalt  }
0x47: {  	_ =	shalt  }
0x48: {  	_ =	shalt  }
0x49: {  	_ =	shalt  }
0x4a: {  	_ =	shalt  }
0x4b: {  	_ =	shalt  }
0x4c: {  	_ =	shalt  }
0x4d: {  	_ =	shalt  }
0x4e: {  	_ =	shalt  }
0x4f: {  	_ =	shalt  }
0x50: {  	_ =	shalt  }
0x51: {  	_ =	shalt  }
0x52: {  	_ =	shalt  }
0x53: {  	_ =	shalt  }
0x54: {  	_ =	shalt  }
0x55: {  	_ =	shalt  }
0x56: {  	_ =	shalt  }
0x57: {  	_ =	shalt  }
0x58: {  	_ =	shalt  }
0x59: {  	_ =	shalt  }
0x5a: {  	_ =	shalt  }
0x5b: {  	_ =	shalt  }
0x5c: {  	_ =	shalt  }
0x5d: {  	_ =	shalt  }
0x5e: {  	_ =	shalt  }
0x5f: {  	_ =	shalt  }
0x60: {  	_ =	shalt  }
0x61: {  	_ =	shalt  }
0x62: {  	_ =	shalt  }
0x63: {  	_ =	shalt  }
0x64: {  	_ =	shalt  }
0x65: {  	_ =	shalt  }
0x66: {  	_ =	shalt  }
0x67: {  	_ =	shalt  }
0x68: {  	_ =	shalt  }
0x69: {  	_ =	shalt  }
0x6a: {  	_ =	shalt  }
0x6b: {  	_ =	shalt  }
0x6c: {  	_ =	shalt  }
0x6d: {  	_ =	shalt  }
0x6e: {  	_ =	shalt  }
0x6f: {  	_ =	shalt  }
0x70: {  	_ =	shalt  }
0x71: {  	_ =	shalt  }
0x72: {  	_ =	shalt  }
0x73: {  	_ =	shalt  }
0x74: {  	_ =	shalt  }
0x75: {  	_ =	shalt  }
0x76: {  	_ =	shalt  }
0x77: {  	_ =	shalt  }
0x78: {  	_ =	shalt  }
0x79: {  	_ =	shalt  }
0x7a: {  	_ =	shalt  }
0x7b: {  	_ =	shalt  }
0x7c: {  	_ =	shalt  }
0x7d: {  	_ =	shalt  }
0x7e: {  	_ =	shalt  }
0x7f: {  	_ =	shalt  }
0x80: {  	_ =	shalt  }
0x81: {  	_ =	shalt  }
0x82: {  	_ =	shalt  }
0x83: {  	_ =	shalt  }
0x84: {  	_ =	shalt  }
0x85: {  	_ =	shalt  }
0x86: {  	_ =	shalt  }
0x87: {  	_ =	shalt  }
.Lfunc_end0:
.L_simem_size_0:
called_computation_lowered:
.L_overlay_start_0:
0x88: {  	s0 =	sld [smem:$0x3FD9]  }
0x89: {  	s1 =	sld [smem:$0x3FFE];
	_ =	sdelay $0x3  }
0x8a: {  	s0 =	sadd.s32 s1, s0  }
0x8b: {  	[smem:$0x3FC3] =	sst s0  }
0x8c: {  	_ = 	snop  }
0x8d: {  	s0 =	sld [smem:$0x3FC8]  }
0x8e: {  	s16 =	sld [smem:$0x3FC6]  }
0x8f: {  	s2 =	sld [smem:$0x3FC5];
	(tm) =	ssettm $0x1  }
0x90: {  	s3 =	sld [smem:$0x3FFB];
	_ =	sdelay $0x3  }
0x91: {  	_ =	strace s3  }
0x92: {  	s3 =	sld [smem:$0x3FFC];
	_ =	sdelay $0x3  }
0x93: {  	_ =	strace s3  }
0x94: {  	s3 =	sld [smem:$0x3FFD];
	_ =	sdelay $0x3  }
0x95: {  	_ =	strace s3  }
0x96: {  	_ =	strace $0x8FFFFFFF  }
0x97: {  	s17 =	sld [smem:$0x3FDB];
	_ =	sdelay $0x1  }
0x98: {  	s4 =	simm.s32 $_scs_section_size  }
0x99: {  	s5 =	simm.s32 $_size__tile_overlayer_lowered;
	s6 =	simm.s32 $_tile_overlayer_lowered  }
0x9a: {  	s20 =	simm.s32 $0x1BFF;
	s19 =	sshll.u32 s6, $0x1;
	s3 =	sadd.s32 s4, s17  }
0x9b: {  	s7 =	simm.s32 $0x0;
	s18 =	sshll.u32 s5, $0x1;
	s5 =	sadd.s32 s19, s3  }
0x9c: {  	[timem:s7], [sflag:s20] =	dma.local [hbm:s5], s18  }
0x9d: {  	_ =	swait.ge [sflag:s20], s18  }
0x9e: {  	s4 =	ssub.s32 $0x0, s18;
	[sflag:s20] =	ssyncset.done $0x0  }
0x9f: {  	[sflag:s20] =	ssyncadd.s32 s4;
	_ =	sdelay $0x1  }
0xa0: {  	s21 =	simm.s32 $0x1B8B  }
0xa1: {  	_ =	swait.ge [sflag:s21], $0x1  }
0xa2: {  	[sflag:s21] =	ssyncset.done $0x0  }
0xa3: {  	s23 =	simm.s32 $0x1B8E;
	s22 =	sld [smem:$0x3FFE];
	[sflag:s21] =	ssyncadd.s32 $0xFFFFFFFF  }
0xa4: {  	s24 =	simm.s32 $execute0_lowered;
	[smem:$0x3FD2] =	sst s23  }
0xa5: {  	s5 =	sshll.u32 s24, $0x1;
	_ =	strace $0x80000046;
	[dreg:$0x1] =	wrdreg $0xFFFFFFFF  }
0xa6: {  	s25 =	simm.s32 $_size_execute0_lowered;
	s3 =	sadd.s32 s3, s5;
	[dreg:$0x0] =	wrdreg $0x0  }
0xa7: {  	s5 =	sshll.u32 s25, $0x1;
	[dreg:$0x2] =	wrdreg s3  }
0xa8: {  	[dreg:$0x3] =	wrdreg s5  }
0xa9: {  	[dreg:$0x4] =	wrdreg $0xC0  }
0xaa: {  	_ =	task [dreg:s7], $0x5FFFF  }
0xab: {  	[dreg:$0x1] =	wrdreg $0xFFFFFFFF  }
0xac: {  	[dreg:$0x0] =	wrdreg $0x60  }
0xad: {  	[dreg:$0x2] =	wrdreg s0  }
0xae: {  	[dreg:$0x3] =	wrdreg s16  }
0xaf: {  	[dreg:$0x4] =	wrdreg s2  }
0xb0: {  	[dreg:$0x5] =	wrdreg s22  }
0xb1: {  	[dreg:$0x6] =	wrdreg $0x9  }
0xb2: {  	_ =	task.clear_ibuf [dreg:s7], $0x7FFFF;
	_ =	strace $0x90000046  }
0xb3: {  	s26 =	simm.s32 $0x9;
	_ =	strace $0x80000048  }
0xb4: {  	_ =	swait.ge [sflag:s26], $0x1  }
0xb5: {  	[sflag:s26] =	ssyncadd.s32 $0xFFFFFFFF  }
0xb6: {  	_ =	strace $0x90000048  }
0xb7: {  	_ =	sfence  }
0xb8: {  	s28 =	sld [smem:$0x0];
	_ =	sdelay $0x1  }
0xb9: {  	s29 =	srdreg.scid  }
0xba: {  	s30 =	sshll.u32 s29, $0xD;
	s31 =	sshrl.u32 s29, $0x2  }
0xbb: {  	s1 =	sand.u32 $0x1, s29;
	s2 =	sand.u32 $0x4000, s30;
	s0 =	sadd.s32 s31, s28  }
0xbc: {  	s1 =	sor.u32 s2, s1;
	s0 =	sshll.u32 s0, $0x11  }
0xbd: {  	s0 =	sor.u32 s0, s1  }
0xbe: {  	s0 =	sadd.s32 $0x8F2B, s0  }
0xbf: {  	[sflag:s0] =	ssyncadd.remote.s32 $0x1  }
0xc0: {  	_ =	sfence.sel $0xFFFF  }
0xc1: {  	[dreg:$0x0] =	wrdreg $0xFFFFFFFF;
	(pc) =	sbr.abs _section_cstart, $3  }
0xc2: {  	[dreg:$0x1] =	wrdreg $0xFFFFFFFF  }
0xc3: {  	_ =	task.clear_ibuf [dreg:s7], $0x2FFFF;
	_ =	strace $0x9FFFFFFF  }
0xc4: {  	(tm) =	ssettm $0x7FFFFFFF  }
0xc5: {  	_ =	shalt  }
tec
execute0_lowered:
.L_overlay_start_1:
0x0: {  	(tag) =	ssettag $0x1  }
0x1: {  	s0 =	rddreg [dreg:$0x0]  }
0x2: {  	s1 =	rddreg [dreg:$0x1]  }
0x3: {  	s2 =	rddreg [dreg:$0x2]  }
0x4: {  	s3 =	rddreg [dreg:$0x3];
	s5 =	stileid.u32  }
0x5: {  	s4 =	rddreg [dreg:$0x4];
	_ =	strace $0x80000047;
	p0 =	sne.s32 s5, $0x0  }
0x6: {  	_ =	sfence.sel @p0 $0x180000  }
0x7: {  	[bflag:$0x0] =	sbarrier.arrive @p0 $0xFFFF  }
0x8: {  	_ =	strace @p0 $0x90000047  }
0x9: {  	s5 =	simm.s32 @!p0 $0x0;
	[bflag:$0x2] =	sbarrier.arrive @p0 $0xFFFF  }
0xa: {  	[tilespmem:s5], [sflag:$0x2] =	stream.linear.gather @!p0 [hbm4b:s0+s5], $0x100, $0x38;
	[tilespmem:$0x300] =	vst v63  }
0xb: {  	s0 =	simm.s32 @!p0 $0x2  }
0xc: {  	_ =	swait.ge @!p0 [sflag:s0], $0x100  }
0xd: {  	[sflag:s0] =	ssyncset.done @!p0 $0x0  }
0xe: {  	s6 =	simm.s32 @!p0 $0x100;
	[sflag:s0] =	ssyncadd.s32 @!p0 $0xFFFFFF00;
	s0 =	simm.s32 @!p0 $0x80  }
0xf: {  	[tilespmem:s6], [sflag:$0x1] =	stream.indirect.gather @!p0 [hbm4b:s1+s0], $0x1, s5, s0, $0xb8;
	[tilespmem:$0x300] =	vst v63  }
0x10: {  	s7 =	simm.s32 @!p0 $0x200  }
0x11: {  	[tilespmem:s7], [sflag:$0x1] =	stream.indirect.gather @!p0 [hbm4b:s2+s0], $0x1, s5, s0, $0xb8;
	[tilespmem:$0x300] =	vst v63  }
0x12: {  	s8 =	simm.s32 @!p0 $0x180  }
0x13: {  	[tilespmem:s8], [sflag:$0x1] =	stream.indirect.gather @!p0 [hbm4b:s1+s0], $0x1, s0, s0, $0xb8;
	[tilespmem:$0x300] =	vst v63  }
0x14: {  	s1 =	simm.s32 @!p0 $0x280  }
0x15: {  	[tilespmem:s1], [sflag:$0x1] =	stream.indirect.gather @!p0 [hbm4b:s2+s0], $0x1, s0, s0, $0xb8;
	[tilespmem:$0x300] =	vst v63  }
0x16: {  	s0 =	simm.s32 @!p0 $0x1  }
0x17: {  	_ =	swait.ge @!p0 [sflag:s0], $0x80  }
0x18: {  	[sflag:s0] =	ssyncset.done @!p0 $0x0  }
0x19: {  	[sflag:s0] =	ssyncadd.s32 @!p0 $0xFFFFFF80  }
0x1a: {  	_ =	swait.ge @!p0 [sflag:s0], $0x80  }
0x1b: {  	[sflag:s0] =	ssyncset.done @!p0 $0x0  }
0x1c: {  	[sflag:s0] =	ssyncadd.s32 @!p0 $0xFFFFFF80  }
0x1d: {  	_ =	swait.ge @!p0 [sflag:s0], $0x80  }
0x1e: {  	[sflag:s0] =	ssyncset.done @!p0 $0x0  }
0x1f: {  	[sflag:s0] =	ssyncadd.s32 @!p0 $0xFFFFFF80  }
0x20: {  	_ =	swait.ge @!p0 [sflag:s0], $0x80  }
0x21: {  	[sflag:s0] =	ssyncset.done @!p0 $0x0  }
0x22: {  	s1 =	sadd.s32 $0x1A00, s3;
	[sflag:s0] =	ssyncadd.s32 @!p0 $0xFFFFFF80  }
0x23: {  	[hbm4b:s1+s5] =	stream.linear.scatter @!p0 [tilespmem:s6], [sflag:$0x1], $0x100, $0x38;
	[tilespmem:$0x300] =	vst v63  }
0x24: {  	s1 =	sadd.s32 $0x1C00, s3  }
0x25: {  	[hbm4b:s1+s5] =	stream.linear.scatter @!p0 [tilespmem:s7], [sflag:$0x1], $0x100, $0x38;
	[tilespmem:$0x300] =	vst v63  }
0x26: {  	_ =	swait.ge @!p0 [sflag:s0], $0x100  }
0x27: {  	[sflag:s0] =	ssyncset.done @!p0 $0x0  }
0x28: {  	[sflag:s0] =	ssyncadd.s32 @!p0 $0xFFFFFF00  }
0x29: {  	_ =	swait.ge @!p0 [sflag:s0], $0x100  }
0x2a: {  	[sflag:s0] =	ssyncset.done @!p0 $0x0  }
0x2b: {  	[sflag:s0] =	ssyncadd.s32 @!p0 $0xFFFFFF00  }
0x2c: {  	_ =	sfence.sel @!p0 $0x180000  }
0x2d: {  	[bflag:$0x0] =	sbarrier.arrive @!p0 $0xFFFF  }
0x2e: {  	_ =	strace @!p0 $0x90000047  }
0x2f: {  	s0 =	sadd.s32 @!p0 $0x100000, s4;
	[bflag:$0x2] =	sbarrier.arrive @!p0 $0xFFFF  }
0x30: {  	[sflag:s0] =	ssyncadd.tile.s32 @!p0 $0x1;
	_ =	shalt  }
.Lfunc_end2:
_tile_overlayer_lowered:
.L_overlay_start_2:
0x31: {  	(tag) =	ssettag $0x2  }
0x32: {  	s0 =	rddreg [dreg:$0x0];
	s2 =	stileid.u32  }
0x33: {  	s1 =	rddreg [dreg:$0x1];
	p0 =	sne.s32 s2, $0x0  }
0x34: {  	s3 =	rddreg [dreg:$0x2];
	[bflag:$0x3] =	sbarrier.arrive $0xFFFF;
	s2 =	simm.s32 @!p0 $0x1C02  }
0x35: {  	[timem:s3], [sflag:s2] =	dma.local @!p0 [hbm:s0], s1  }
0x36: {  	s0 =	simm.s32 @!p0 $0x2  }
0x37: {  	_ =	swait.ge @!p0 [sflag:s0], s1  }
0x38: {  	s1 =	ssub.s32 @!p0 $0x0, s1;
	[sflag:s0] =	ssyncset.done @!p0 $0x0  }
0x39: {  	[sflag:s0] =	ssyncadd.s32 @!p0 s1  }
0x3a: {  	[bflag:$0x3] =	sbarrier.arrive $0xFFFF  }
0x3b: {  	_ =	shalt  }

</sc_bundles>
